<compile_context>
chip_gen: v7x
topology: tpu7x:2x2x1
jax: 0.10.2.dev20260603
libtpu: 0.0.44.dev20260713+nightly
codegen_flags: <defaults>
</compile_context>

<pallas_src>
import functools
import math

import jax
import jax.numpy as jnp
from jax import lax
from jax.experimental import pallas as pl
from jax.experimental.pallas import tpu as pltpu
from jax.experimental.pallas import tpu_sc as plsc

N_HID = 128
MAX_LEN = 240
BATCH = 4096
HIST = 200

NC = 2
NS = 16
NW = NC * NS

B_TOTAL = BATCH * HIST
B_PER_W = B_TOTAL // NW
CHUNK = 128
N_CHUNKS = B_PER_W // CHUNK
NBUF = 4
N_GROUPS = N_CHUNKS // NBUF


def _fuse_tc_kernel(emb_ref, w_ref, b_ref, out_ref):
    e = emb_ref[...]
    w = w_ref[...]
    acc = lax.dot_general(
        e, w, (((1,), (1,)), ((), ())), preferred_element_type=jnp.float32
    )
    out_ref[...] = acc + b_ref[...]


def _build_fused_table(emb_weight, lin_w, lin_b):
    return pl.pallas_call(
        _fuse_tc_kernel,
        out_shape=jax.ShapeDtypeStruct((MAX_LEN, N_HID), jnp.float32),
    )(emb_weight, lin_w, lin_b.reshape(1, N_HID))


def _gather_body(table_hbm, idx_hbm, out_hbm, table_v, idx_v, rows, gsems, wsems):
    wid = lax.axis_index("s") * NC + lax.axis_index("c")
    w_base = pl.multiple_of(wid * B_PER_W, CHUNK)

    @pl.when(lax.axis_index("s") == 0)
    def _stage():
        pltpu.sync_copy(table_hbm, table_v)

    plsc.subcore_barrier()
    pltpu.sync_copy(idx_hbm.at[pl.ds(w_base, B_PER_W)], idx_v)

    def start_gather(chunk, b):
        off = pl.multiple_of(chunk * CHUNK, CHUNK)
        pltpu.async_copy(table_v.at[idx_v.at[pl.ds(off, CHUNK)]], rows[b], gsems[b])

    def start_write(chunk, b):
        off = pl.multiple_of(w_base + chunk * CHUNK, CHUNK)
        pltpu.async_copy(rows[b], out_hbm.at[pl.ds(off, CHUNK)], wsems[b])

    def drain_gather(b):
        pltpu.make_async_copy(
            table_v.at[idx_v.at[pl.ds(0, CHUNK)]], rows[b], gsems[b]
        ).wait()

    def drain_write(b):
        pltpu.make_async_copy(
            rows[b], out_hbm.at[pl.ds(w_base, CHUNK)], wsems[b]
        ).wait()

    for b in range(NBUF):
        start_gather(b, b)

    @pl.loop(0, N_GROUPS - 1)
    def _group(g):
        base_chunk = g * NBUF
        for b in range(NBUF):
            drain_gather(b)
            start_write(base_chunk + b, b)
        for b in range(NBUF):
            drain_write(b)
            start_gather(base_chunk + NBUF + b, b)

    last = (N_GROUPS - 1) * NBUF
    for b in range(NBUF):
        drain_gather(b)
        start_write(last + b, b)
    for b in range(NBUF):
        drain_write(b)


@functools.partial(
    pl.kernel,
    out_type=jax.ShapeDtypeStruct((B_TOTAL, N_HID), jnp.float32),
    mesh=plsc.VectorSubcoreMesh(core_axis_name="c", subcore_axis_name="s"),
    scratch_types=[
        pltpu.VMEM_SHARED((MAX_LEN, N_HID), jnp.float32),
        pltpu.VMEM((B_PER_W,), jnp.int32),
        [pltpu.VMEM((CHUNK, N_HID), jnp.float32) for _ in range(NBUF)],
        [pltpu.SemaphoreType.DMA for _ in range(NBUF)],
        [pltpu.SemaphoreType.DMA for _ in range(NBUF)],
    ],
)
def _sc_gather(table_hbm, idx_hbm, out_hbm, table_v, idx_v, rows, gsems, wsems):
    _gather_body(table_hbm, idx_hbm, out_hbm, table_v, idx_v, rows, gsems, wsems)


def kernel(time, emb_weight, lin_w, lin_b):
    fused = _build_fused_table(emb_weight, lin_w, lin_b)
    idx = time.reshape(B_TOTAL)
    out = _sc_gather(fused, idx)
    return out.reshape(BATCH, HIST, N_HID)

# --- scband reference (transcript-rebuilt; emitter-appended) ---
"""Pipeline reference for scband-time-encoding-816043786791 (READ-ONLY COPY).

The authoritative reference and input builder live on the scoring server;
editing this copy changes nothing except your own understanding.
"""

import jax, jax.numpy as jnp
import numpy as np
import math

N_HID = 128
MAX_LEN = 240
BATCH = 4096
HIST = 200


def _build_emb_table():
    # Faithful to the torch init (including the overflow-to-inf -> 1/inf = 0 behavior):
    # div_term = 1 / (10000 ** arange(0, 2*n_hid, 2) / n_hid / 2)
    pos = np.arange(0.0, MAX_LEN, dtype=np.float64)[:, None]
    expo = np.arange(0.0, N_HID * 2, 2.0, dtype=np.float64)
    with np.errstate(over='ignore'):
        div = 1.0 / (np.power(10000.0, expo) / N_HID / 2.0)
    W = np.zeros((MAX_LEN, N_HID * 2), dtype=np.float64)
    W[:, 0::2] = np.sin(pos * div) / math.sqrt(N_HID)
    W[:, 1::2] = np.cos(pos * div) / math.sqrt(N_HID)
    W[0, :] = 0.0
    W[1, :] = 0.0
    return jnp.asarray(W.astype(np.float32))


def setup_inputs(seed: int = 0) -> dict:
    key = jax.random.key(seed)
    k_t, k_w, k_b = jax.random.split(key, 3)
    time = jax.random.randint(k_t, (BATCH, HIST), 0, MAX_LEN, dtype=jnp.int32)
    emb_weight = _build_emb_table()  # [240, 256], frozen buffer
    fan_in = N_HID * 2
    bound = 1.0 / math.sqrt(fan_in)
    lin_w = jax.random.uniform(k_w, (N_HID, N_HID * 2), dtype=jnp.float32, minval=-bound, maxval=bound)
    lin_b = jax.random.uniform(k_b, (N_HID,), dtype=jnp.float32, minval=-bound, maxval=bound)
    return {"time": time, "emb_weight": emb_weight, "lin_w": lin_w, "lin_b": lin_b}


def reference(time, emb_weight, lin_w, lin_b):
    # self.lin(self.emb(time))
    e = jnp.take(emb_weight, time, axis=0)          # [B, L, 2*n_hid] gather
    out = jnp.einsum('blk,nk->bln', e, lin_w) + lin_b  # Linear(2*n_hid -> n_hid)
    return out

if __name__ == "__main__":
    import jax
    _d = setup_inputs()
    print(jax.jit(kernel)(*tuple(_d.values())))

</pallas_src>

<mosaic_0001>
#map = affine_map<(d0, d1) -> (0, 0)>
#map1 = affine_map<(d0, d1) -> (0)>
module attributes {stable_mosaic.version = 14 : i64} {
  func.func @_sc_gather(%arg0: i32, %arg1: i32, %arg2: memref<240x128xf32, #tpu.memory_space<hbm>>, %arg3: memref<819200xi32, #tpu.memory_space<hbm>>, %arg4: memref<819200x128xf32, #tpu.memory_space<hbm>>, %arg5: memref<240x128xf32, #tpu.memory_space<vmem_shared>>, %arg6: memref<25600xi32, #tpu.memory_space<vmem>>, %arg7: memref<128x128xf32, #tpu.memory_space<vmem>>, %arg8: memref<128x128xf32, #tpu.memory_space<vmem>>, %arg9: memref<128x128xf32, #tpu.memory_space<vmem>>, %arg10: memref<128x128xf32, #tpu.memory_space<vmem>>, %arg11: memref<!tpu.dma_semaphore, #tpu.memory_space<semaphore_mem>>, %arg12: memref<!tpu.dma_semaphore, #tpu.memory_space<semaphore_mem>>, %arg13: memref<!tpu.dma_semaphore, #tpu.memory_space<semaphore_mem>>, %arg14: memref<!tpu.dma_semaphore, #tpu.memory_space<semaphore_mem>>, %arg15: memref<!tpu.dma_semaphore, #tpu.memory_space<semaphore_mem>>, %arg16: memref<!tpu.dma_semaphore, #tpu.memory_space<semaphore_mem>>, %arg17: memref<!tpu.dma_semaphore, #tpu.memory_space<semaphore_mem>>, %arg18: memref<!tpu.dma_semaphore, #tpu.memory_space<semaphore_mem>>) attributes {dimension_semantics = [#tpu.dimension_semantics<core_parallel>, #tpu.dimension_semantics<subcore_parallel>], iteration_bounds = array<i64: 2, 16>, scalar_prefetch = 0 : i64, scratch_operands = 14 : i64, tpu.core_type = #tpu.core_type<sc_vector_subcore>, window_params = [{transform_indices = #map}, {transform_indices = #map1}, {transform_indices = #map}]} {
    %mul3A = arith.constant 2 : i32
    %mul3A_0 = arith.muli %arg1, %mul3A : i32
    %add3A = arith.addi %mul3A_0, %arg0 : i32
    %mul3A_1 = arith.constant 25600 : i32
    %mul3A_2 = arith.muli %add3A, %mul3A_1 : i32
    %multiple_of3A = tpu.assume_multiple %mul3A_2, 128 : i32
    %eq3A = arith.constant 0 : i32
    %eq3A_3 = arith.cmpi eq, %arg1, %eq3A : i32
    %convert_element_type3A = arith.extui %eq3A_3 : i1 to i32
    %cond3A = arith.constant 0 : i32
    %cond3A_4 = arith.cmpi ne, %convert_element_type3A, %cond3A : i32
    scf.if %cond3A_4 {
      "tpu.region"() ({
        %run_scoped3A = tpu.sem_alloc : memref<!tpu.dma_semaphore, #tpu.memory_space<semaphore_mem>>
        tpu.enqueue_dma source(%arg2 : memref<240x128xf32, #tpu.memory_space<hbm>>) target(%arg5 : memref<240x128xf32, #tpu.memory_space<vmem_shared>>) target_semaphore(%run_scoped3A : memref<!tpu.dma_semaphore, #tpu.memory_space<semaphore_mem>>)
        tpu.wait_dma2 semaphore(%run_scoped3A : memref<!tpu.dma_semaphore, #tpu.memory_space<semaphore_mem>>) src(%arg2 : memref<240x128xf32, #tpu.memory_space<hbm>>) dst(%arg5 : memref<240x128xf32, #tpu.memory_space<vmem_shared>>)
        tpu.yield
      }) : () -> ()
    } else {
    }
    %barrier3A = arith.constant 0 : index
    tpu.barrier barrier_id(%barrier3A)
    "tpu.region"() ({
      %run_scoped3A = tpu.sem_alloc : memref<!tpu.dma_semaphore, #tpu.memory_space<semaphore_mem>>
      %dma_start3A_95 = tpu.memref_slice %arg3[%multiple_of3A] : memref<819200xi32, #tpu.memory_space<hbm>> -> memref<25600xi32, #tpu.memory_space<hbm>>
      %dma_start3A_96 = tpu.memref_slice %arg3[%multiple_of3A] : memref<819200xi32, #tpu.memory_space<hbm>> -> memref<25600xi32, #tpu.memory_space<hbm>>
      tpu.enqueue_dma source(%dma_start3A_96 : memref<25600xi32, #tpu.memory_space<hbm>>) target(%arg6 : memref<25600xi32, #tpu.memory_space<vmem>>) target_semaphore(%run_scoped3A : memref<!tpu.dma_semaphore, #tpu.memory_space<semaphore_mem>>)
      %dma_wait3A_97 = tpu.memref_slice %arg3[%multiple_of3A] : memref<819200xi32, #tpu.memory_space<hbm>> -> memref<25600xi32, #tpu.memory_space<hbm>>
      %dma_wait3A_98 = tpu.memref_slice %arg3[%multiple_of3A] : memref<819200xi32, #tpu.memory_space<hbm>> -> memref<25600xi32, #tpu.memory_space<hbm>>
      tpu.wait_dma2 semaphore(%run_scoped3A : memref<!tpu.dma_semaphore, #tpu.memory_space<semaphore_mem>>) src(%dma_wait3A_98 : memref<25600xi32, #tpu.memory_space<hbm>>) dst(%arg6 : memref<25600xi32, #tpu.memory_space<vmem>>)
      tpu.yield
    }) : () -> ()
    %multiple_of3A_5 = arith.constant 0 : i32
    %multiple_of3A_6 = tpu.assume_multiple %multiple_of3A_5, 128 : i32
    %dma_start3A = tpu.memref_slice %arg6[%multiple_of3A_6] : memref<25600xi32, #tpu.memory_space<vmem>> -> memref<128xi32, #tpu.memory_space<vmem>>
    %dma_start3A_7 = arith.constant 0 : i32
    %dma_start3A_8 = arith.constant 0 : i32
    %dma_start3A_9 = tpu.memref_slice %arg5[%dma_start3A_7, %dma_start3A_8] : memref<240x128xf32, #tpu.memory_space<vmem_shared>> -> memref<240x128xf32, #tpu.memory_space<vmem_shared>>
    tpu.enqueue_indirect_dma source(%dma_start3A_9 : memref<240x128xf32, #tpu.memory_space<vmem_shared>>) target(%arg7 : memref<128x128xf32, #tpu.memory_space<vmem>>) offsets(%dma_start3A : memref<128xi32, #tpu.memory_space<vmem>>) semaphore(%arg11 : memref<!tpu.dma_semaphore, #tpu.memory_space<semaphore_mem>>)
    %multiple_of3A_10 = arith.constant 128 : i32
    %multiple_of3A_11 = tpu.assume_multiple %multiple_of3A_10, 128 : i32
    %dma_start3A_12 = tpu.memref_slice %arg6[%multiple_of3A_11] : memref<25600xi32, #tpu.memory_space<vmem>> -> memref<128xi32, #tpu.memory_space<vmem>>
    %dma_start3A_13 = arith.constant 0 : i32
    %dma_start3A_14 = arith.constant 0 : i32
    %dma_start3A_15 = tpu.memref_slice %arg5[%dma_start3A_13, %dma_start3A_14] : memref<240x128xf32, #tpu.memory_space<vmem_shared>> -> memref<240x128xf32, #tpu.memory_space<vmem_shared>>
    tpu.enqueue_indirect_dma source(%dma_start3A_15 : memref<240x128xf32, #tpu.memory_space<vmem_shared>>) target(%arg8 : memref<128x128xf32, #tpu.memory_space<vmem>>) offsets(%dma_start3A_12 : memref<128xi32, #tpu.memory_space<vmem>>) semaphore(%arg12 : memref<!tpu.dma_semaphore, #tpu.memory_space<semaphore_mem>>)
    %multiple_of3A_16 = arith.constant 256 : i32
    %multiple_of3A_17 = tpu.assume_multiple %multiple_of3A_16, 128 : i32
    %dma_start3A_18 = tpu.memref_slice %arg6[%multiple_of3A_17] : memref<25600xi32, #tpu.memory_space<vmem>> -> memref<128xi32, #tpu.memory_space<vmem>>
    %dma_start3A_19 = arith.constant 0 : i32
    %dma_start3A_20 = arith.constant 0 : i32
    %dma_start3A_21 = tpu.memref_slice %arg5[%dma_start3A_19, %dma_start3A_20] : memref<240x128xf32, #tpu.memory_space<vmem_shared>> -> memref<240x128xf32, #tpu.memory_space<vmem_shared>>
    tpu.enqueue_indirect_dma source(%dma_start3A_21 : memref<240x128xf32, #tpu.memory_space<vmem_shared>>) target(%arg9 : memref<128x128xf32, #tpu.memory_space<vmem>>) offsets(%dma_start3A_18 : memref<128xi32, #tpu.memory_space<vmem>>) semaphore(%arg13 : memref<!tpu.dma_semaphore, #tpu.memory_space<semaphore_mem>>)
    %multiple_of3A_22 = arith.constant 384 : i32
    %multiple_of3A_23 = tpu.assume_multiple %multiple_of3A_22, 128 : i32
    %dma_start3A_24 = tpu.memref_slice %arg6[%multiple_of3A_23] : memref<25600xi32, #tpu.memory_space<vmem>> -> memref<128xi32, #tpu.memory_space<vmem>>
    %dma_start3A_25 = arith.constant 0 : i32
    %dma_start3A_26 = arith.constant 0 : i32
    %dma_start3A_27 = tpu.memref_slice %arg5[%dma_start3A_25, %dma_start3A_26] : memref<240x128xf32, #tpu.memory_space<vmem_shared>> -> memref<240x128xf32, #tpu.memory_space<vmem_shared>>
    tpu.enqueue_indirect_dma source(%dma_start3A_27 : memref<240x128xf32, #tpu.memory_space<vmem_shared>>) target(%arg10 : memref<128x128xf32, #tpu.memory_space<vmem>>) offsets(%dma_start3A_24 : memref<128xi32, #tpu.memory_space<vmem>>) semaphore(%arg14 : memref<!tpu.dma_semaphore, #tpu.memory_space<semaphore_mem>>)
    %scan3A = arith.constant 0 : i32
    %scan3A_28 = arith.constant 49 : i32
    %scan3A_29 = arith.addi %scan3A, %scan3A_28 : i32
    %scan3A_30 = arith.constant 1 : i32
    scf.for %scan3A_95 = %scan3A to %scan3A_29 step %scan3A_30  : i32 {
      %mul3A_96 = arith.constant 1 : i32
      %mul3A_97 = arith.muli %scan3A_95, %mul3A_96 : i32
      %add3A_98 = arith.constant 0 : i32
      %add3A_99 = arith.addi %add3A_98, %mul3A_97 : i32
      %mul3A_100 = arith.constant 4 : i32
      %mul3A_101 = arith.muli %add3A_99, %mul3A_100 : i32
      %dma_wait3A_102 = arith.constant 0 : i32
      %dma_wait3A_103 = tpu.memref_slice %arg6[%dma_wait3A_102] : memref<25600xi32, #tpu.memory_space<vmem>> -> memref<128xi32, #tpu.memory_space<vmem>>
      %dma_wait3A_104 = arith.constant 0 : i32
      %dma_wait3A_105 = arith.constant 0 : i32
      %dma_wait3A_106 = tpu.memref_slice %arg5[%dma_wait3A_104, %dma_wait3A_105] : memref<240x128xf32, #tpu.memory_space<vmem_shared>> -> memref<240x128xf32, #tpu.memory_space<vmem_shared>>
      tpu.wait_indirect_dma semaphore(%arg11 : memref<!tpu.dma_semaphore, #tpu.memory_space<semaphore_mem>>) src(%dma_wait3A_106 : memref<240x128xf32, #tpu.memory_space<vmem_shared>>) dst(%arg7 : memref<128x128xf32, #tpu.memory_space<vmem>>)
      %add3A_107 = arith.constant 0 : i32
      %add3A_108 = arith.addi %mul3A_101, %add3A_107 : i32
      %mul3A_109 = arith.constant 128 : i32
      %mul3A_110 = arith.muli %add3A_108, %mul3A_109 : i32
      %add3A_111 = arith.addi %multiple_of3A, %mul3A_110 : i32
      %multiple_of3A_112 = tpu.assume_multiple %add3A_111, 128 : i32
      %dma_start3A_113 = arith.constant 0 : i32
      %dma_start3A_114 = tpu.memref_slice %arg4[%multiple_of3A_112, %dma_start3A_113] : memref<819200x128xf32, #tpu.memory_space<hbm>> -> memref<128x128xf32, #tpu.memory_space<hbm>>
      %dma_start3A_115 = arith.constant 0 : i32
      %dma_start3A_116 = tpu.memref_slice %arg4[%multiple_of3A_112, %dma_start3A_115] : memref<819200x128xf32, #tpu.memory_space<hbm>> -> memref<128x128xf32, #tpu.memory_space<hbm>>
      tpu.enqueue_dma source(%arg7 : memref<128x128xf32, #tpu.memory_space<vmem>>) target(%dma_start3A_116 : memref<128x128xf32, #tpu.memory_space<hbm>>) target_semaphore(%arg15 : memref<!tpu.dma_semaphore, #tpu.memory_space<semaphore_mem>>)
      %dma_wait3A_117 = arith.constant 0 : i32
      %dma_wait3A_118 = tpu.memref_slice %arg6[%dma_wait3A_117] : memref<25600xi32, #tpu.memory_space<vmem>> -> memref<128xi32, #tpu.memory_space<vmem>>
      %dma_wait3A_119 = arith.constant 0 : i32
      %dma_wait3A_120 = arith.constant 0 : i32
      %dma_wait3A_121 = tpu.memref_slice %arg5[%dma_wait3A_119, %dma_wait3A_120] : memref<240x128xf32, #tpu.memory_space<vmem_shared>> -> memref<240x128xf32, #tpu.memory_space<vmem_shared>>
      tpu.wait_indirect_dma semaphore(%arg12 : memref<!tpu.dma_semaphore, #tpu.memory_space<semaphore_mem>>) src(%dma_wait3A_121 : memref<240x128xf32, #tpu.memory_space<vmem_shared>>) dst(%arg8 : memref<128x128xf32, #tpu.memory_space<vmem>>)
      %add3A_122 = arith.constant 1 : i32
      %add3A_123 = arith.addi %mul3A_101, %add3A_122 : i32
      %mul3A_124 = arith.constant 128 : i32
      %mul3A_125 = arith.muli %add3A_123, %mul3A_124 : i32
      %add3A_126 = arith.addi %multiple_of3A, %mul3A_125 : i32
      %multiple_of3A_127 = tpu.assume_multiple %add3A_126, 128 : i32
      %dma_start3A_128 = arith.constant 0 : i32
      %dma_start3A_129 = tpu.memref_slice %arg4[%multiple_of3A_127, %dma_start3A_128] : memref<819200x128xf32, #tpu.memory_space<hbm>> -> memref<128x128xf32, #tpu.memory_space<hbm>>
      %dma_start3A_130 = arith.constant 0 : i32
      %dma_start3A_131 = tpu.memref_slice %arg4[%multiple_of3A_127, %dma_start3A_130] : memref<819200x128xf32, #tpu.memory_space<hbm>> -> memref<128x128xf32, #tpu.memory_space<hbm>>
      tpu.enqueue_dma source(%arg8 : memref<128x128xf32, #tpu.memory_space<vmem>>) target(%dma_start3A_131 : memref<128x128xf32, #tpu.memory_space<hbm>>) target_semaphore(%arg16 : memref<!tpu.dma_semaphore, #tpu.memory_space<semaphore_mem>>)
      %dma_wait3A_132 = arith.constant 0 : i32
      %dma_wait3A_133 = tpu.memref_slice %arg6[%dma_wait3A_132] : memref<25600xi32, #tpu.memory_space<vmem>> -> memref<128xi32, #tpu.memory_space<vmem>>
      %dma_wait3A_134 = arith.constant 0 : i32
      %dma_wait3A_135 = arith.constant 0 : i32
      %dma_wait3A_136 = tpu.memref_slice %arg5[%dma_wait3A_134, %dma_wait3A_135] : memref<240x128xf32, #tpu.memory_space<vmem_shared>> -> memref<240x128xf32, #tpu.memory_space<vmem_shared>>
      tpu.wait_indirect_dma semaphore(%arg13 : memref<!tpu.dma_semaphore, #tpu.memory_space<semaphore_mem>>) src(%dma_wait3A_136 : memref<240x128xf32, #tpu.memory_space<vmem_shared>>) dst(%arg9 : memref<128x128xf32, #tpu.memory_space<vmem>>)
      %add3A_137 = arith.constant 2 : i32
      %add3A_138 = arith.addi %mul3A_101, %add3A_137 : i32
      %mul3A_139 = arith.constant 128 : i32
      %mul3A_140 = arith.muli %add3A_138, %mul3A_139 : i32
      %add3A_141 = arith.addi %multiple_of3A, %mul3A_140 : i32
      %multiple_of3A_142 = tpu.assume_multiple %add3A_141, 128 : i32
      %dma_start3A_143 = arith.constant 0 : i32
      %dma_start3A_144 = tpu.memref_slice %arg4[%multiple_of3A_142, %dma_start3A_143] : memref<819200x128xf32, #tpu.memory_space<hbm>> -> memref<128x128xf32, #tpu.memory_space<hbm>>
      %dma_start3A_145 = arith.constant 0 : i32
      %dma_start3A_146 = tpu.memref_slice %arg4[%multiple_of3A_142, %dma_start3A_145] : memref<819200x128xf32, #tpu.memory_space<hbm>> -> memref<128x128xf32, #tpu.memory_space<hbm>>
      tpu.enqueue_dma source(%arg9 : memref<128x128xf32, #tpu.memory_space<vmem>>) target(%dma_start3A_146 : memref<128x128xf32, #tpu.memory_space<hbm>>) target_semaphore(%arg17 : memref<!tpu.dma_semaphore, #tpu.memory_space<semaphore_mem>>)
      %dma_wait3A_147 = arith.constant 0 : i32
      %dma_wait3A_148 = tpu.memref_slice %arg6[%dma_wait3A_147] : memref<25600xi32, #tpu.memory_space<vmem>> -> memref<128xi32, #tpu.memory_space<vmem>>
      %dma_wait3A_149 = arith.constant 0 : i32
      %dma_wait3A_150 = arith.constant 0 : i32
      %dma_wait3A_151 = tpu.memref_slice %arg5[%dma_wait3A_149, %dma_wait3A_150] : memref<240x128xf32, #tpu.memory_space<vmem_shared>> -> memref<240x128xf32, #tpu.memory_space<vmem_shared>>
      tpu.wait_indirect_dma semaphore(%arg14 : memref<!tpu.dma_semaphore, #tpu.memory_space<semaphore_mem>>) src(%dma_wait3A_151 : memref<240x128xf32, #tpu.memory_space<vmem_shared>>) dst(%arg10 : memref<128x128xf32, #tpu.memory_space<vmem>>)
      %add3A_152 = arith.constant 3 : i32
      %add3A_153 = arith.addi %mul3A_101, %add3A_152 : i32
      %mul3A_154 = arith.constant 128 : i32
      %mul3A_155 = arith.muli %add3A_153, %mul3A_154 : i32
      %add3A_156 = arith.addi %multiple_of3A, %mul3A_155 : i32
      %multiple_of3A_157 = tpu.assume_multiple %add3A_156, 128 : i32
      %dma_start3A_158 = arith.constant 0 : i32
      %dma_start3A_159 = tpu.memref_slice %arg4[%multiple_of3A_157, %dma_start3A_158] : memref<819200x128xf32, #tpu.memory_space<hbm>> -> memref<128x128xf32, #tpu.memory_space<hbm>>
      %dma_start3A_160 = arith.constant 0 : i32
      %dma_start3A_161 = tpu.memref_slice %arg4[%multiple_of3A_157, %dma_start3A_160] : memref<819200x128xf32, #tpu.memory_space<hbm>> -> memref<128x128xf32, #tpu.memory_space<hbm>>
      tpu.enqueue_dma source(%arg10 : memref<128x128xf32, #tpu.memory_space<vmem>>) target(%dma_start3A_161 : memref<128x128xf32, #tpu.memory_space<hbm>>) target_semaphore(%arg18 : memref<!tpu.dma_semaphore, #tpu.memory_space<semaphore_mem>>)
      %dma_wait3A_162 = arith.constant 0 : i32
      %dma_wait3A_163 = tpu.memref_slice %arg4[%multiple_of3A, %dma_wait3A_162] : memref<819200x128xf32, #tpu.memory_space<hbm>> -> memref<128x128xf32, #tpu.memory_space<hbm>>
      %dma_wait3A_164 = arith.constant 0 : i32
      %dma_wait3A_165 = tpu.memref_slice %arg4[%multiple_of3A, %dma_wait3A_164] : memref<819200x128xf32, #tpu.memory_space<hbm>> -> memref<128x128xf32, #tpu.memory_space<hbm>>
      tpu.wait_dma2 semaphore(%arg15 : memref<!tpu.dma_semaphore, #tpu.memory_space<semaphore_mem>>) src(%arg7 : memref<128x128xf32, #tpu.memory_space<vmem>>) dst(%dma_wait3A_165 : memref<128x128xf32, #tpu.memory_space<hbm>>)
      %add3A_166 = arith.constant 4 : i32
      %add3A_167 = arith.addi %mul3A_101, %add3A_166 : i32
      %add3A_168 = arith.constant 0 : i32
      %add3A_169 = arith.addi %add3A_167, %add3A_168 : i32
      %mul3A_170 = arith.constant 128 : i32
      %mul3A_171 = arith.muli %add3A_169, %mul3A_170 : i32
      %multiple_of3A_172 = tpu.assume_multiple %mul3A_171, 128 : i32
      %dma_start3A_173 = tpu.memref_slice %arg6[%multiple_of3A_172] : memref<25600xi32, #tpu.memory_space<vmem>> -> memref<128xi32, #tpu.memory_space<vmem>>
      %dma_start3A_174 = arith.constant 0 : i32
      %dma_start3A_175 = arith.constant 0 : i32
      %dma_start3A_176 = tpu.memref_slice %arg5[%dma_start3A_174, %dma_start3A_175] : memref<240x128xf32, #tpu.memory_space<vmem_shared>> -> memref<240x128xf32, #tpu.memory_space<vmem_shared>>
      tpu.enqueue_indirect_dma source(%dma_start3A_176 : memref<240x128xf32, #tpu.memory_space<vmem_shared>>) target(%arg7 : memref<128x128xf32, #tpu.memory_space<vmem>>) offsets(%dma_start3A_173 : memref<128xi32, #tpu.memory_space<vmem>>) semaphore(%arg11 : memref<!tpu.dma_semaphore, #tpu.memory_space<semaphore_mem>>)
      %dma_wait3A_177 = arith.constant 0 : i32
      %dma_wait3A_178 = tpu.memref_slice %arg4[%multiple_of3A, %dma_wait3A_177] : memref<819200x128xf32, #tpu.memory_space<hbm>> -> memref<128x128xf32, #tpu.memory_space<hbm>>
      %dma_wait3A_179 = arith.constant 0 : i32
      %dma_wait3A_180 = tpu.memref_slice %arg4[%multiple_of3A, %dma_wait3A_179] : memref<819200x128xf32, #tpu.memory_space<hbm>> -> memref<128x128xf32, #tpu.memory_space<hbm>>
      tpu.wait_dma2 semaphore(%arg16 : memref<!tpu.dma_semaphore, #tpu.memory_space<semaphore_mem>>) src(%arg8 : memref<128x128xf32, #tpu.memory_space<vmem>>) dst(%dma_wait3A_180 : memref<128x128xf32, #tpu.memory_space<hbm>>)
      %add3A_181 = arith.constant 4 : i32
      %add3A_182 = arith.addi %mul3A_101, %add3A_181 : i32
      %add3A_183 = arith.constant 1 : i32
      %add3A_184 = arith.addi %add3A_182, %add3A_183 : i32
      %mul3A_185 = arith.constant 128 : i32
      %mul3A_186 = arith.muli %add3A_184, %mul3A_185 : i32
      %multiple_of3A_187 = tpu.assume_multiple %mul3A_186, 128 : i32
      %dma_start3A_188 = tpu.memref_slice %arg6[%multiple_of3A_187] : memref<25600xi32, #tpu.memory_space<vmem>> -> memref<128xi32, #tpu.memory_space<vmem>>
      %dma_start3A_189 = arith.constant 0 : i32
      %dma_start3A_190 = arith.constant 0 : i32
      %dma_start3A_191 = tpu.memref_slice %arg5[%dma_start3A_189, %dma_start3A_190] : memref<240x128xf32, #tpu.memory_space<vmem_shared>> -> memref<240x128xf32, #tpu.memory_space<vmem_shared>>
      tpu.enqueue_indirect_dma source(%dma_start3A_191 : memref<240x128xf32, #tpu.memory_space<vmem_shared>>) target(%arg8 : memref<128x128xf32, #tpu.memory_space<vmem>>) offsets(%dma_start3A_188 : memref<128xi32, #tpu.memory_space<vmem>>) semaphore(%arg12 : memref<!tpu.dma_semaphore, #tpu.memory_space<semaphore_mem>>)
      %dma_wait3A_192 = arith.constant 0 : i32
      %dma_wait3A_193 = tpu.memref_slice %arg4[%multiple_of3A, %dma_wait3A_192] : memref<819200x128xf32, #tpu.memory_space<hbm>> -> memref<128x128xf32, #tpu.memory_space<hbm>>
      %dma_wait3A_194 = arith.constant 0 : i32
      %dma_wait3A_195 = tpu.memref_slice %arg4[%multiple_of3A, %dma_wait3A_194] : memref<819200x128xf32, #tpu.memory_space<hbm>> -> memref<128x128xf32, #tpu.memory_space<hbm>>
      tpu.wait_dma2 semaphore(%arg17 : memref<!tpu.dma_semaphore, #tpu.memory_space<semaphore_mem>>) src(%arg9 : memref<128x128xf32, #tpu.memory_space<vmem>>) dst(%dma_wait3A_195 : memref<128x128xf32, #tpu.memory_space<hbm>>)
      %add3A_196 = arith.constant 4 : i32
      %add3A_197 = arith.addi %mul3A_101, %add3A_196 : i32
      %add3A_198 = arith.constant 2 : i32
      %add3A_199 = arith.addi %add3A_197, %add3A_198 : i32
      %mul3A_200 = arith.constant 128 : i32
      %mul3A_201 = arith.muli %add3A_199, %mul3A_200 : i32
      %multiple_of3A_202 = tpu.assume_multiple %mul3A_201, 128 : i32
      %dma_start3A_203 = tpu.memref_slice %arg6[%multiple_of3A_202] : memref<25600xi32, #tpu.memory_space<vmem>> -> memref<128xi32, #tpu.memory_space<vmem>>
      %dma_start3A_204 = arith.constant 0 : i32
      %dma_start3A_205 = arith.constant 0 : i32
      %dma_start3A_206 = tpu.memref_slice %arg5[%dma_start3A_204, %dma_start3A_205] : memref<240x128xf32, #tpu.memory_space<vmem_shared>> -> memref<240x128xf32, #tpu.memory_space<vmem_shared>>
      tpu.enqueue_indirect_dma source(%dma_start3A_206 : memref<240x128xf32, #tpu.memory_space<vmem_shared>>) target(%arg9 : memref<128x128xf32, #tpu.memory_space<vmem>>) offsets(%dma_start3A_203 : memref<128xi32, #tpu.memory_space<vmem>>) semaphore(%arg13 : memref<!tpu.dma_semaphore, #tpu.memory_space<semaphore_mem>>)
      %dma_wait3A_207 = arith.constant 0 : i32
      %dma_wait3A_208 = tpu.memref_slice %arg4[%multiple_of3A, %dma_wait3A_207] : memref<819200x128xf32, #tpu.memory_space<hbm>> -> memref<128x128xf32, #tpu.memory_space<hbm>>
      %dma_wait3A_209 = arith.constant 0 : i32
      %dma_wait3A_210 = tpu.memref_slice %arg4[%multiple_of3A, %dma_wait3A_209] : memref<819200x128xf32, #tpu.memory_space<hbm>> -> memref<128x128xf32, #tpu.memory_space<hbm>>
      tpu.wait_dma2 semaphore(%arg18 : memref<!tpu.dma_semaphore, #tpu.memory_space<semaphore_mem>>) src(%arg10 : memref<128x128xf32, #tpu.memory_space<vmem>>) dst(%dma_wait3A_210 : memref<128x128xf32, #tpu.memory_space<hbm>>)
      %add3A_211 = arith.constant 4 : i32
      %add3A_212 = arith.addi %mul3A_101, %add3A_211 : i32
      %add3A_213 = arith.constant 3 : i32
      %add3A_214 = arith.addi %add3A_212, %add3A_213 : i32
      %mul3A_215 = arith.constant 128 : i32
      %mul3A_216 = arith.muli %add3A_214, %mul3A_215 : i32
      %multiple_of3A_217 = tpu.assume_multiple %mul3A_216, 128 : i32
      %dma_start3A_218 = tpu.memref_slice %arg6[%multiple_of3A_217] : memref<25600xi32, #tpu.memory_space<vmem>> -> memref<128xi32, #tpu.memory_space<vmem>>
      %dma_start3A_219 = arith.constant 0 : i32
      %dma_start3A_220 = arith.constant 0 : i32
      %dma_start3A_221 = tpu.memref_slice %arg5[%dma_start3A_219, %dma_start3A_220] : memref<240x128xf32, #tpu.memory_space<vmem_shared>> -> memref<240x128xf32, #tpu.memory_space<vmem_shared>>
      tpu.enqueue_indirect_dma source(%dma_start3A_221 : memref<240x128xf32, #tpu.memory_space<vmem_shared>>) target(%arg10 : memref<128x128xf32, #tpu.memory_space<vmem>>) offsets(%dma_start3A_218 : memref<128xi32, #tpu.memory_space<vmem>>) semaphore(%arg14 : memref<!tpu.dma_semaphore, #tpu.memory_space<semaphore_mem>>)
    }
    %scan3A_31 = arith.constant 49 : i32
    %dma_wait3A = arith.constant 0 : i32
    %dma_wait3A_32 = tpu.memref_slice %arg6[%dma_wait3A] : memref<25600xi32, #tpu.memory_space<vmem>> -> memref<128xi32, #tpu.memory_space<vmem>>
    %dma_wait3A_33 = arith.constant 0 : i32
    %dma_wait3A_34 = arith.constant 0 : i32
    %dma_wait3A_35 = tpu.memref_slice %arg5[%dma_wait3A_33, %dma_wait3A_34] : memref<240x128xf32, #tpu.memory_space<vmem_shared>> -> memref<240x128xf32, #tpu.memory_space<vmem_shared>>
    tpu.wait_indirect_dma semaphore(%arg11 : memref<!tpu.dma_semaphore, #tpu.memory_space<semaphore_mem>>) src(%dma_wait3A_35 : memref<240x128xf32, #tpu.memory_space<vmem_shared>>) dst(%arg7 : memref<128x128xf32, #tpu.memory_space<vmem>>)
    %add3A_36 = arith.constant 25088 : i32
    %add3A_37 = arith.addi %multiple_of3A, %add3A_36 : i32
    %multiple_of3A_38 = tpu.assume_multiple %add3A_37, 128 : i32
    %dma_start3A_39 = arith.constant 0 : i32
    %dma_start3A_40 = tpu.memref_slice %arg4[%multiple_of3A_38, %dma_start3A_39] : memref<819200x128xf32, #tpu.memory_space<hbm>> -> memref<128x128xf32, #tpu.memory_space<hbm>>
    %dma_start3A_41 = arith.constant 0 : i32
    %dma_start3A_42 = tpu.memref_slice %arg4[%multiple_of3A_38, %dma_start3A_41] : memref<819200x128xf32, #tpu.memory_space<hbm>> -> memref<128x128xf32, #tpu.memory_space<hbm>>
    tpu.enqueue_dma source(%arg7 : memref<128x128xf32, #tpu.memory_space<vmem>>) target(%dma_start3A_42 : memref<128x128xf32, #tpu.memory_space<hbm>>) target_semaphore(%arg15 : memref<!tpu.dma_semaphore, #tpu.memory_space<semaphore_mem>>)
    %dma_wait3A_43 = arith.constant 0 : i32
    %dma_wait3A_44 = tpu.memref_slice %arg6[%dma_wait3A_43] : memref<25600xi32, #tpu.memory_space<vmem>> -> memref<128xi32, #tpu.memory_space<vmem>>
    %dma_wait3A_45 = arith.constant 0 : i32
    %dma_wait3A_46 = arith.constant 0 : i32
    %dma_wait3A_47 = tpu.memref_slice %arg5[%dma_wait3A_45, %dma_wait3A_46] : memref<240x128xf32, #tpu.memory_space<vmem_shared>> -> memref<240x128xf32, #tpu.memory_space<vmem_shared>>
    tpu.wait_indirect_dma semaphore(%arg12 : memref<!tpu.dma_semaphore, #tpu.memory_space<semaphore_mem>>) src(%dma_wait3A_47 : memref<240x128xf32, #tpu.memory_space<vmem_shared>>) dst(%arg8 : memref<128x128xf32, #tpu.memory_space<vmem>>)
    %add3A_48 = arith.constant 25216 : i32
    %add3A_49 = arith.addi %multiple_of3A, %add3A_48 : i32
    %multiple_of3A_50 = tpu.assume_multiple %add3A_49, 128 : i32
    %dma_start3A_51 = arith.constant 0 : i32
    %dma_start3A_52 = tpu.memref_slice %arg4[%multiple_of3A_50, %dma_start3A_51] : memref<819200x128xf32, #tpu.memory_space<hbm>> -> memref<128x128xf32, #tpu.memory_space<hbm>>
    %dma_start3A_53 = arith.constant 0 : i32
    %dma_start3A_54 = tpu.memref_slice %arg4[%multiple_of3A_50, %dma_start3A_53] : memref<819200x128xf32, #tpu.memory_space<hbm>> -> memref<128x128xf32, #tpu.memory_space<hbm>>
    tpu.enqueue_dma source(%arg8 : memref<128x128xf32, #tpu.memory_space<vmem>>) target(%dma_start3A_54 : memref<128x128xf32, #tpu.memory_space<hbm>>) target_semaphore(%arg16 : memref<!tpu.dma_semaphore, #tpu.memory_space<semaphore_mem>>)
    %dma_wait3A_55 = arith.constant 0 : i32
    %dma_wait3A_56 = tpu.memref_slice %arg6[%dma_wait3A_55] : memref<25600xi32, #tpu.memory_space<vmem>> -> memref<128xi32, #tpu.memory_space<vmem>>
    %dma_wait3A_57 = arith.constant 0 : i32
    %dma_wait3A_58 = arith.constant 0 : i32
    %dma_wait3A_59 = tpu.memref_slice %arg5[%dma_wait3A_57, %dma_wait3A_58] : memref<240x128xf32, #tpu.memory_space<vmem_shared>> -> memref<240x128xf32, #tpu.memory_space<vmem_shared>>
    tpu.wait_indirect_dma semaphore(%arg13 : memref<!tpu.dma_semaphore, #tpu.memory_space<semaphore_mem>>) src(%dma_wait3A_59 : memref<240x128xf32, #tpu.memory_space<vmem_shared>>) dst(%arg9 : memref<128x128xf32, #tpu.memory_space<vmem>>)
    %add3A_60 = arith.constant 25344 : i32
    %add3A_61 = arith.addi %multiple_of3A, %add3A_60 : i32
    %multiple_of3A_62 = tpu.assume_multiple %add3A_61, 128 : i32
    %dma_start3A_63 = arith.constant 0 : i32
    %dma_start3A_64 = tpu.memref_slice %arg4[%multiple_of3A_62, %dma_start3A_63] : memref<819200x128xf32, #tpu.memory_space<hbm>> -> memref<128x128xf32, #tpu.memory_space<hbm>>
    %dma_start3A_65 = arith.constant 0 : i32
    %dma_start3A_66 = tpu.memref_slice %arg4[%multiple_of3A_62, %dma_start3A_65] : memref<819200x128xf32, #tpu.memory_space<hbm>> -> memref<128x128xf32, #tpu.memory_space<hbm>>
    tpu.enqueue_dma source(%arg9 : memref<128x128xf32, #tpu.memory_space<vmem>>) target(%dma_start3A_66 : memref<128x128xf32, #tpu.memory_space<hbm>>) target_semaphore(%arg17 : memref<!tpu.dma_semaphore, #tpu.memory_space<semaphore_mem>>)
    %dma_wait3A_67 = arith.constant 0 : i32
    %dma_wait3A_68 = tpu.memref_slice %arg6[%dma_wait3A_67] : memref<25600xi32, #tpu.memory_space<vmem>> -> memref<128xi32, #tpu.memory_space<vmem>>
    %dma_wait3A_69 = arith.constant 0 : i32
    %dma_wait3A_70 = arith.constant 0 : i32
    %dma_wait3A_71 = tpu.memref_slice %arg5[%dma_wait3A_69, %dma_wait3A_70] : memref<240x128xf32, #tpu.memory_space<vmem_shared>> -> memref<240x128xf32, #tpu.memory_space<vmem_shared>>
    tpu.wait_indirect_dma semaphore(%arg14 : memref<!tpu.dma_semaphore, #tpu.memory_space<semaphore_mem>>) src(%dma_wait3A_71 : memref<240x128xf32, #tpu.memory_space<vmem_shared>>) dst(%arg10 : memref<128x128xf32, #tpu.memory_space<vmem>>)
    %add3A_72 = arith.constant 25472 : i32
    %add3A_73 = arith.addi %multiple_of3A, %add3A_72 : i32
    %multiple_of3A_74 = tpu.assume_multiple %add3A_73, 128 : i32
    %dma_start3A_75 = arith.constant 0 : i32
    %dma_start3A_76 = tpu.memref_slice %arg4[%multiple_of3A_74, %dma_start3A_75] : memref<819200x128xf32, #tpu.memory_space<hbm>> -> memref<128x128xf32, #tpu.memory_space<hbm>>
    %dma_start3A_77 = arith.constant 0 : i32
    %dma_start3A_78 = tpu.memref_slice %arg4[%multiple_of3A_74, %dma_start3A_77] : memref<819200x128xf32, #tpu.memory_space<hbm>> -> memref<128x128xf32, #tpu.memory_space<hbm>>
    tpu.enqueue_dma source(%arg10 : memref<128x128xf32, #tpu.memory_space<vmem>>) target(%dma_start3A_78 : memref<128x128xf32, #tpu.memory_space<hbm>>) target_semaphore(%arg18 : memref<!tpu.dma_semaphore, #tpu.memory_space<semaphore_mem>>)
    %dma_wait3A_79 = arith.constant 0 : i32
    %dma_wait3A_80 = tpu.memref_slice %arg4[%multiple_of3A, %dma_wait3A_79] : memref<819200x128xf32, #tpu.memory_space<hbm>> -> memref<128x128xf32, #tpu.memory_space<hbm>>
    %dma_wait3A_81 = arith.constant 0 : i32
    %dma_wait3A_82 = tpu.memref_slice %arg4[%multiple_of3A, %dma_wait3A_81] : memref<819200x128xf32, #tpu.memory_space<hbm>> -> memref<128x128xf32, #tpu.memory_space<hbm>>
    tpu.wait_dma2 semaphore(%arg15 : memref<!tpu.dma_semaphore, #tpu.memory_space<semaphore_mem>>) src(%arg7 : memref<128x128xf32, #tpu.memory_space<vmem>>) dst(%dma_wait3A_82 : memref<128x128xf32, #tpu.memory_space<hbm>>)
    %dma_wait3A_83 = arith.constant 0 : i32
    %dma_wait3A_84 = tpu.memref_slice %arg4[%multiple_of3A, %dma_wait3A_83] : memref<819200x128xf32, #tpu.memory_space<hbm>> -> memref<128x128xf32, #tpu.memory_space<hbm>>
    %dma_wait3A_85 = arith.constant 0 : i32
    %dma_wait3A_86 = tpu.memref_slice %arg4[%multiple_of3A, %dma_wait3A_85] : memref<819200x128xf32, #tpu.memory_space<hbm>> -> memref<128x128xf32, #tpu.memory_space<hbm>>
    tpu.wait_dma2 semaphore(%arg16 : memref<!tpu.dma_semaphore, #tpu.memory_space<semaphore_mem>>) src(%arg8 : memref<128x128xf32, #tpu.memory_space<vmem>>) dst(%dma_wait3A_86 : memref<128x128xf32, #tpu.memory_space<hbm>>)
    %dma_wait3A_87 = arith.constant 0 : i32
    %dma_wait3A_88 = tpu.memref_slice %arg4[%multiple_of3A, %dma_wait3A_87] : memref<819200x128xf32, #tpu.memory_space<hbm>> -> memref<128x128xf32, #tpu.memory_space<hbm>>
    %dma_wait3A_89 = arith.constant 0 : i32
    %dma_wait3A_90 = tpu.memref_slice %arg4[%multiple_of3A, %dma_wait3A_89] : memref<819200x128xf32, #tpu.memory_space<hbm>> -> memref<128x128xf32, #tpu.memory_space<hbm>>
    tpu.wait_dma2 semaphore(%arg17 : memref<!tpu.dma_semaphore, #tpu.memory_space<semaphore_mem>>) src(%arg9 : memref<128x128xf32, #tpu.memory_space<vmem>>) dst(%dma_wait3A_90 : memref<128x128xf32, #tpu.memory_space<hbm>>)
    %dma_wait3A_91 = arith.constant 0 : i32
    %dma_wait3A_92 = tpu.memref_slice %arg4[%multiple_of3A, %dma_wait3A_91] : memref<819200x128xf32, #tpu.memory_space<hbm>> -> memref<128x128xf32, #tpu.memory_space<hbm>>
    %dma_wait3A_93 = arith.constant 0 : i32
    %dma_wait3A_94 = tpu.memref_slice %arg4[%multiple_of3A, %dma_wait3A_93] : memref<819200x128xf32, #tpu.memory_space<hbm>> -> memref<128x128xf32, #tpu.memory_space<hbm>>
    tpu.wait_dma2 semaphore(%arg18 : memref<!tpu.dma_semaphore, #tpu.memory_space<semaphore_mem>>) src(%arg10 : memref<128x128xf32, #tpu.memory_space<vmem>>) dst(%dma_wait3A_94 : memref<128x128xf32, #tpu.memory_space<hbm>>)
    return
  }
}

module attributes {stable_mosaic.version = 14 : i64} {
  func.func @_fuse_tc_kernel(%arg0: memref<240x256xf32, #tpu.memory_space<vmem>>, %arg1: memref<128x256xf32, #tpu.memory_space<vmem>>, %arg2: memref<1x128xf32, #tpu.memory_space<vmem>>, %arg3: memref<240x128xf32, #tpu.memory_space<vmem>>) attributes {dimension_semantics = [], scalar_prefetch = 0 : i64, scratch_operands = 0 : i64, tpu.core_type = #tpu.core_type<tc>} {
    %get3A = arith.constant 0 : index
    %get3A_0 = arith.constant 0 : index
    %get3A_1 = vector.load %arg0[%get3A, %get3A_0] : memref<240x256xf32, #tpu.memory_space<vmem>>, vector<240x256xf32>
    %get3A_2 = arith.constant 0 : index
    %get3A_3 = arith.constant 0 : index
    %get3A_4 = vector.load %arg1[%get3A_2, %get3A_3] : memref<128x256xf32, #tpu.memory_space<vmem>>, vector<128x256xf32>
    %dot_general3A = arith.constant dense<0.000000e+00> : vector<240x128xf32>
    %dot_general3A_5 = tpu.matmul %get3A_1, %get3A_4, %dot_general3A {dimension_numbers = #tpu.dot_dimension_numbers<[1], [1], [0], [0], [0, 0, 1, 0], [], []>, transpose_lhs_hint = false} : vector<240x256xf32>, vector<128x256xf32>, vector<240x128xf32> -> vector<240x128xf32>
    %get3A_6 = arith.constant 0 : index
    %get3A_7 = arith.constant 0 : index
    %get3A_8 = vector.load %arg2[%get3A_6, %get3A_7] : memref<1x128xf32, #tpu.memory_space<vmem>>, vector<1x128xf32>
    %add3A = vector.broadcast %get3A_8 : vector<1x128xf32> to vector<240x128xf32>
    %add3A_9 = arith.addf %dot_general3A_5, %add3A : vector<240x128xf32>
    %swap3A = arith.constant 0 : index
    %swap3A_10 = arith.constant 0 : index
    %swap3A_11 = vector.load %arg3[%swap3A, %swap3A_10] : memref<240x128xf32, #tpu.memory_space<vmem>>, vector<240x128xf32>
    tpu.vector_store %arg3[%swap3A, %swap3A_10], %add3A_9 {strides = array<i32>} : memref<240x128xf32, #tpu.memory_space<vmem>>, vector<240x128xf32>,
    return
  }
}

</mosaic_0001>

<sc_bundles>
// kernel: kernel.4.cloned.1.call-start
scs
__scs_entry_jumppad:
0x0: {  	(pc) =	sbr.rel $0x88, $3  }
0x1: {  	(tag) =	ssettag $0x0;
	lr =	simm.s32 $0x1  }
0x2: {  	[smem:$0x3F9D] =	sst lr;
	_ =	strace $0xD0000000  }
0x3: {  	_ = 	snop  }
0x4: {  	_ = 	snop  }
0x5: {  	_ = 	snop  }
0x6: {  	_ = 	snop  }
0x7: {  	_ = 	snop  }
__scs_overlays_trampoline_lowered:
0x8: {  	[smem:$0x3FAC] =	sst s0  }
0x9: {  	[smem:$0x3FAD] =	sst s1  }
0xa: {  	[smem:$0x3FAE] =	sst s2  }
0xb: {  	[smem:$0x3FAF] =	sst s3  }
0xc: {  	[smem:$0x3FB0] =	sst s4  }
0xd: {  	[smem:$0x3FB1] =	sst s5  }
0xe: {  	[smem:$0x3FB2] =	sst s6  }
0xf: {  	[smem:$0x3FB3] =	sst s7  }
0x10: {  	[smem:$0x3FB4] =	sst s8  }
0x11: {  	[smem:$0x3FB5] =	sst s9;
	s0 =	simm.s32 @!p0 $0x0  }
0x12: {  	s1 =	sld [smem:$0x3F9B];
	s0 =	simm.s32 @p0 $0x1  }
0x13: {  	[smem:$0x3FB6] =	sst s0;
	s0 =	simm.s32 @!p1 $0x0  }
0x14: {  	s2 =	sld [smem:$0x3F9A];
	s0 =	simm.s32 @p1 $0x1  }
0x15: {  	[smem:$0x3FB7] =	sst s0;
	s0 =	simm.s32 @!p2 $0x0  }
0x16: {  	s3 =	sld [smem:$0x3FDB];
	s0 =	simm.s32 @p2 $0x1  }
0x17: {  	s4 =	simm.s32 $0x1BF5;
	[smem:$0x3FB9] =	sst s0  }
0x18: {  	s0 =	sld [smem:$0x3F9C];
	_ =	swait.ge [sflag:s4], $0x0  }
0x19: {  	s7 =	sld [smem:$0x3F9D]  }
0x1a: {  	s8 =	sadd.s32 $0xFFFFE003, lr  }
0x1b: {  	s9 =	sadd.s32 $0xFFFFFEF7, lr;
	s5 =	simm.s32 $0xFFFFFFFF;
	p2 =	slt.u32 s8, $0xFFFFF086  }
0x1c: {  	p1 =	slt.u32 s9, $0xF7A;
	s5 =	simm.s32 @!p2 $0x0  }
0x1d: {  	s5 =	simm.s32 @p1 $0x1;
	p0 =	seq.s32 s7, s2  }
0x1e: {  	s7 =	smul.u32 @!p0 $0xF7A, s2;
	p2 =	seq.s32 @!p0 s5, $0x0  }
0x1f: {  	s9 =	smul.u32 $0xF7A, s1;
	s8 =	simm.s32 @!p0 $0x1BF5;
	p2 =	por !p2, p0  }
0x20: {  	[sflag:s8] =	ssyncset.s32 @!p0 $0xFFFFF086;
	s6 =	sadd.s32 @!p0 s3, s7;
	s7 =	simm.s32 @!p0 $0x108  }
0x21: {  	s3 =	sadd.s32 s3, s9;
	s6 =	sadd.s32 @!p0 $0x88, s6;
	s7 =	simm.s32 @p2 $0x1082  }
0x22: {  	[simem:s7], [sflag:s8] =	dma.local @!p0 [hbm:s6], $0xF7A  }
0x23: {  	s9 =	sor.u32 $0xD0000000, s2;
	s6 =	simm.s32 $0x108;
	_ =	swait.ge @!p0 [sflag:s8], $0x0  }
0x24: {  	s3 =	sadd.s32 $0x88, s3;
	s6 =	simm.s32 @!p1 $0x1082;
	[sflag:s4] =	ssyncset.s32 $0xFFFFF086  }
0x25: {  	[simem:s6], [sflag:s4] =	dma.local [hbm:s3], $0xF7A  }
0x26: {  	[smem:$0x3F9D] =	sst s1;
	(tag) =	ssettag s2;
	_ =	strace s9  }
0x27: {  	s1 =	sld [smem:$0x3FAD]  }
0x28: {  	s2 =	sld [smem:$0x3FAE]  }
0x29: {  	s4 =	sld [smem:$0x3FB0]  }
0x2a: {  	p0 =	seq.s32 s5, $0x0;
	s5 =	sld [smem:$0x3FB1]  }
0x2b: {  	s6 =	sld [smem:$0x3FB2]  }
0x2c: {  	s7 =	sld [smem:$0x3FB3]  }
0x2d: {  	s3 =	simm.s32 $0x108;
	s8 =	sld [smem:$0x3FB4]  }
0x2e: {  	s3 =	simm.s32 @!p0 $0x1082;
	s9 =	sld [smem:$0x3FB5]  }
0x2f: {  	lr =	sadd.s32 s0, s3;
	s0 =	sld [smem:$0x3FAC]  }
0x30: {  	s3 =	sld [smem:$0x3FAF]  }
0x31: {  	[smem:$0x3FB8] =	sst s10  }
0x32: {  	s10 =	sld [smem:$0x3FB6];
	_ =	sdelay $0x3  }
0x33: {  	p0 =	seq.s32 s10, $0x1;
	s10 =	sld [smem:$0x3FB8];
	_ =	sdelay $0x3  }
0x34: {  	[smem:$0x3FB8] =	sst s10  }
0x35: {  	s10 =	sld [smem:$0x3FB7];
	_ =	sdelay $0x3  }
0x36: {  	p1 =	seq.s32 s10, $0x1;
	s10 =	sld [smem:$0x3FB8];
	_ =	sdelay $0x3  }
0x37: {  	[smem:$0x3FB8] =	sst s10  }
0x38: {  	s10 =	sld [smem:$0x3FB9]  }
0x39: {  	_ = 	snop;
	(pc) =	sbr.ind lr, $3  }
0x3a: {  	_ = 	snop  }
0x3b: {  	_ = 	snop  }
0x3c: {  	p2 =	seq.s32 s10, $0x1;
	s10 =	sld [smem:$0x3FB8]  }
0x3d: {  	_ =	shalt  }
0x3e: {  	_ =	shalt  }
0x3f: {  	_ =	shalt  }
0x40: {  	_ =	shalt  }
0x41: {  	_ =	shalt  }
0x42: {  	_ =	shalt  }
0x43: {  	_ =	shalt  }
0x44: {  	_ =	shalt  }
0x45: {  	_ =	shalt  }
0x46: {  	_ =	shalt  }
0x47: {  	_ =	shalt  }
0x48: {  	_ =	shalt  }
0x49: {  	_ =	shalt  }
0x4a: {  	_ =	shalt  }
0x4b: {  	_ =	shalt  }
0x4c: {  	_ =	shalt  }
0x4d: {  	_ =	shalt  }
0x4e: {  	_ =	shalt  }
0x4f: {  	_ =	shalt  }
0x50: {  	_ =	shalt  }
0x51: {  	_ =	shalt  }
0x52: {  	_ =	shalt  }
0x53: {  	_ =	shalt  }
0x54: {  	_ =	shalt  }
0x55: {  	_ =	shalt  }
0x56: {  	_ =	shalt  }
0x57: {  	_ =	shalt  }
0x58: {  	_ =	shalt  }
0x59: {  	_ =	shalt  }
0x5a: {  	_ =	shalt  }
0x5b: {  	_ =	shalt  }
0x5c: {  	_ =	shalt  }
0x5d: {  	_ =	shalt  }
0x5e: {  	_ =	shalt  }
0x5f: {  	_ =	shalt  }
0x60: {  	_ =	shalt  }
0x61: {  	_ =	shalt  }
0x62: {  	_ =	shalt  }
0x63: {  	_ =	shalt  }
0x64: {  	_ =	shalt  }
0x65: {  	_ =	shalt  }
0x66: {  	_ =	shalt  }
0x67: {  	_ =	shalt  }
0x68: {  	_ =	shalt  }
0x69: {  	_ =	shalt  }
0x6a: {  	_ =	shalt  }
0x6b: {  	_ =	shalt  }
0x6c: {  	_ =	shalt  }
0x6d: {  	_ =	shalt  }
0x6e: {  	_ =	shalt  }
0x6f: {  	_ =	shalt  }
0x70: {  	_ =	shalt  }
0x71: {  	_ =	shalt  }
0x72: {  	_ =	shalt  }
0x73: {  	_ =	shalt  }
0x74: {  	_ =	shalt  }
0x75: {  	_ =	shalt  }
0x76: {  	_ =	shalt  }
0x77: {  	_ =	shalt  }
0x78: {  	_ =	shalt  }
0x79: {  	_ =	shalt  }
0x7a: {  	_ =	shalt  }
0x7b: {  	_ =	shalt  }
0x7c: {  	_ =	shalt  }
0x7d: {  	_ =	shalt  }
0x7e: {  	_ =	shalt  }
0x7f: {  	_ =	shalt  }
0x80: {  	_ =	shalt  }
0x81: {  	_ =	shalt  }
0x82: {  	_ =	shalt  }
0x83: {  	_ =	shalt  }
0x84: {  	_ =	shalt  }
0x85: {  	_ =	shalt  }
0x86: {  	_ =	shalt  }
0x87: {  	_ =	shalt  }
.Lfunc_end0:
.L_simem_size_0:
called_computation_lowered:
.L_overlay_start_0:
0x88: {  	s2 =	sld [smem:$0x3FD9]  }
0x89: {  	s3 =	sld [smem:$0x3FFE];
	_ =	sdelay $0x1  }
0x8a: {  	s1 =	srdreg.scid  }
0x8b: {  	s0 =	sand.u32 $0x1, s1  }
0x8c: {  	s17 =	sshll.u32 s0, $0xA;
	s2 =	sadd.s32 s3, s2  }
0x8d: {  	s2 =	sadd.s32 s2, s17  }
0x8e: {  	[smem:$0x3FC4] =	sst s2  }
0x8f: {  	_ = 	snop  }
0x90: {  	s2 =	sld [smem:$0x3FD0];
	(tm) =	ssettm $0x1  }
0x91: {  	s18 =	sld [smem:$0x3FFB];
	_ =	sdelay $0x3  }
0x92: {  	_ =	strace s18  }
0x93: {  	s3 =	sld [smem:$0x3FFC];
	_ =	sdelay $0x3  }
0x94: {  	_ =	strace s3  }
0x95: {  	s3 =	sld [smem:$0x3FFD];
	_ =	sdelay $0x3  }
0x96: {  	_ =	strace s3  }
0x97: {  	_ =	strace $0x8FFFFFFF  }
0x98: {  	s19 =	sld [smem:$0x3FDB];
	_ =	sdelay $0x1  }
0x99: {  	s4 =	simm.s32 $_scs_section_size  }
0x9a: {  	s5 =	simm.s32 $_size__tile_overlayer_lowered;
	s6 =	simm.s32 $_tile_overlayer_lowered  }
0x9b: {  	s22 =	simm.s32 $0x1BFF;
	s21 =	sshll.u32 s6, $0x1;
	s3 =	sadd.s32 s4, s19  }
0x9c: {  	s7 =	simm.s32 $0x0;
	s20 =	sshll.u32 s5, $0x1;
	s5 =	sadd.s32 s21, s3  }
0x9d: {  	[timem:s7], [sflag:s22] =	dma.local [hbm:s5], s20  }
0x9e: {  	_ =	swait.ge [sflag:s22], s20  }
0x9f: {  	s4 =	ssub.s32 $0x0, s20;
	[sflag:s22] =	ssyncset.done $0x0  }
0xa0: {  	[sflag:s22] =	ssyncadd.s32 s4;
	_ =	sdelay $0x1  }
0xa1: {  	s23 =	simm.s32 $0x1B8B  }
0xa2: {  	_ =	swait.ge [sflag:s23], $0x1  }
0xa3: {  	[sflag:s23] =	ssyncset.done $0x0  }
0xa4: {  	s25 =	simm.s32 $0x1B8E;
	s24 =	sld [smem:$0x3FFE];
	[sflag:s23] =	ssyncadd.s32 $0xFFFFFFFF  }
0xa5: {  	s26 =	simm.s32 $execute0_lowered;
	[smem:$0x3FD2] =	sst s25  }
0xa6: {  	s5 =	sshll.u32 s26, $0x1;
	_ =	strace $0x80000046;
	[dreg:$0x1] =	wrdreg $0xFFFFFFFF  }
0xa7: {  	s28 =	simm.s32 $_size_execute0_lowered;
	s3 =	sadd.s32 s3, s5;
	[dreg:$0x0] =	wrdreg $0x0  }
0xa8: {  	s5 =	sshll.u32 s28, $0x1;
	[dreg:$0x2] =	wrdreg s3  }
0xa9: {  	[dreg:$0x3] =	wrdreg s5  }
0xaa: {  	[dreg:$0x4] =	wrdreg $0xC0  }
0xab: {  	_ =	task [dreg:s7], $0x5FFFF  }
0xac: {  	[dreg:$0x1] =	wrdreg $0xFFFFFFFF  }
0xad: {  	[dreg:$0x0] =	wrdreg $0x60  }
0xae: {  	[dreg:$0x2] =	wrdreg s24  }
0xaf: {  	[dreg:$0x3] =	wrdreg s2  }
0xb0: {  	[dreg:$0x4] =	wrdreg $0x0  }
0xb1: {  	[dreg:$0x5] =	wrdreg $0x9  }
0xb2: {  	_ =	task.clear_ibuf [dreg:s7], $0x6FFFF;
	_ =	strace $0x90000046  }
0xb3: {  	s29 =	simm.s32 $0x9;
	_ =	strace $0x80000048  }
0xb4: {  	_ =	swait.ge [sflag:s29], $0x1  }
0xb5: {  	[sflag:s29] =	ssyncadd.s32 $0xFFFFFFFF  }
0xb6: {  	_ =	strace $0x90000048  }
0xb7: {  	_ =	sfence  }
0xb8: {  	s30 =	sld [smem:$0x0];
	_ =	sdelay $0x2  }
0xb9: {  	s31 =	sshll.u32 s1, $0xD;
	s1 =	sshrl.u32 s1, $0x2  }
0xba: {  	s3 =	sand.u32 $0x4000, s31;
	s1 =	sadd.s32 s1, s30  }
0xbb: {  	s0 =	sor.u32 s3, s0;
	s1 =	sshll.u32 s1, $0x11  }
0xbc: {  	s0 =	sor.u32 s1, s0  }
0xbd: {  	s0 =	sadd.s32 $0x8F2B, s0  }
0xbe: {  	[sflag:s0] =	ssyncadd.remote.s32 $0x1  }
0xbf: {  	_ =	sfence.sel $0xFFFF  }
0xc0: {  	[dreg:$0x0] =	wrdreg $0xFFFFFFFF;
	(pc) =	sbr.abs _section_cstart, $3  }
0xc1: {  	[dreg:$0x1] =	wrdreg $0xFFFFFFFF  }
0xc2: {  	_ =	task.clear_ibuf [dreg:s7], $0x2FFFF;
	_ =	strace $0x9FFFFFFF  }
0xc3: {  	(tm) =	ssettm $0x7FFFFFFF  }
tec
execute0_lowered:
.L_overlay_start_1:
0x0: {  	(tag) =	ssettag $0x1  }
0x1: {  	s0 =	rddreg [dreg:$0x0]  }
0x2: {  	s11 =	rddreg [dreg:$0x1];
	s2 =	srdreg.scid  }
0x3: {  	s12 =	stileid.u32;
	s1 =	rddreg [dreg:$0x2]  }
0x4: {  	s15 =	simm.s32 $0x80;
	s16 =	simm.s32 $0x6B80;
	s18 =	simm.s32 $0xAB80  }
0x5: {  	s28 =	simm.s32 $0x5;
	s29 =	simm.s32 $0x6;
	s30 =	simm.s32 $0x7  }
0x6: {  	s31 =	simm.s32 $0x8;
	s10 =	sand.u32 $0x1, s2;
	s13 =	smul.u32 $0x640000, s12  }
0x7: {  	s3 =	sshll.u32 s12, $0x1;
	s2 =	simm.s32 $0x0;
	s24 =	smul.u32 $0xC8000, s12  }
0x8: {  	s19 =	sadd.s32 $0x19C00, s0;
	p0 =	sne.s32 s12, $0x0;
	s14 =	smul.u32 $0x320000, s10  }
0x9: {  	s3 =	sor.u32 s10, s3;
	[smem:$0x7FF] =	sst s2;
	s25 =	smul.u32 $0x64000, s10  }
0xa: {  	s5 =	ssub.s32 $0x2, s10;
	s12 =	sshrl.u32 @!p0 s1, $0x3;
	s4 =	smul.u32 $0x6400, s3  }
0xb: {  	_ =	strace $0x80000047;
	s6 =	smul.u32 $0x320000, s3;
	[dreg:$0x4] =	wrdreg s19  }
0xc: {  	s20 =	sshrl.u32 s5, $0x1;
	s26 =	sadd.s32 s24, s11;
	s24 =	simm.s32 $0x2  }
0xd: {  	s9 =	ssub.s32 s5, s20;
	s23 =	sadd.s32 s14, s13;
	s13 =	simm.s32 $0x780  }
0xe: {  	s14 =	simm.s32 $0x9;
	s4 =	sshrl.u32 s4, $0x3;
	s21 =	sshrl.u32 s6, $0x3  }
0xf: {  	s20 =	simm.s32 $0xEB80;
	s0 =	sadd.s32 s4, s0;
	s22 =	sadd.s32 s11, s21  }
0x10: {  	s9 =	smax.u32 s9, $0x1;
	s0 =	sadd.s32 $0xC00, s0;
	s5 =	sadd.s32 $0x62000, s22  }
0x11: {  	s6 =	sadd.s32 $0x62800, s22;
	s7 =	sadd.s32 $0x63000, s22;
	s8 =	sadd.s32 $0x63800, s22  }
0x12: {  	s22 =	simm.s32 $0x12B80;
	[dreg:$0x5] =	wrdreg s0;
	s0 =	sshrl.u32 s23, $0x3  }
0x13: {  	s23 =	simm.s32 $0x1;
	s10 =	sadd.s32 s0, s11;
	s11 =	sadd.s32 s25, s26  }
0x14: {  	s25 =	simm.s32 $0x3;
	s26 =	simm.s32 $0x4;
	s0 =	simm.s32 $0x0  }
.LBB2_1:
0x15: {  	s17 =	simm.s32 @!p0 $0x1C09;
	s3 =	rddreg [dreg:$0x4]  }
0x16: {  	[spmem:s12], [sflag:s17] =	dma.local @!p0 [hbm:s3], $0xF00  }
0x17: {  	s17 =	simm.s32 @!p0 $0x9  }
0x18: {  	_ =	swait.ge @!p0 [sflag:s17], $0xF00  }
0x19: {  	[sflag:s17] =	ssyncset.done @!p0 $0x0  }
0x1a: {  	[sflag:s17] =	ssyncadd.s32 @!p0 $0xFFFFF100  }
0x1b: {  	[bflag:$0x0] =	sbarrier.arrive $0xFFFF  }
0x1c: {  	s19 =	rddreg [dreg:$0x5]  }
0x1d: {  	[tilespmem:s13], [sflag:$0x9] =	stream.linear.gather [hbm4b:s19+s2], $0x6400, $0x38;
	[tilespmem:$0x16B80] =	vst v63  }
0x1e: {  	_ =	swait.ge [sflag:s14], $0x6400  }
0x1f: {  	[sflag:s14] =	ssyncset.done $0x0  }
0x20: {  	[sflag:s14] =	ssyncadd.s32 $0xFFFF9C00  }
0x21: {  	[tilespmem:s16], [sflag:$0x1] =	stream.indirect.gather [spmem:s1], $0x80, s13, s15, $0xb8;
	[tilespmem:$0x16B80] =	vst v63  }
0x22: {  	s21 =	simm.s32 $0x800  }
0x23: {  	[tilespmem:s18], [sflag:$0x2] =	stream.indirect.gather [spmem:s1], $0x80, s21, s15, $0xb8;
	[tilespmem:$0x16B80] =	vst v63  }
0x24: {  	s4 =	simm.s32 $0x880  }
0x25: {  	[tilespmem:s20], [sflag:$0x3] =	stream.indirect.gather [spmem:s1], $0x80, s4, s15, $0xb8;
	[tilespmem:$0x16B80] =	vst v63  }
0x26: {  	s17 =	simm.s32 $0x900  }
0x27: {  	[tilespmem:s22], [sflag:$0x4] =	stream.indirect.gather [spmem:s1], $0x80, s17, s15, $0xb8;
	[tilespmem:$0x16B80] =	vst v63  }
0x28: {  	_ =	swait.ge [sflag:s23], $0x4000  }
0x29: {  	[sflag:s23] =	ssyncset.done $0x0  }
0x2a: {  	s19 =	sadd.s32 $0x0, s10;
	[sflag:s23] =	ssyncadd.s32 $0xFFFFC000  }
0x2b: {  	[hbm4b:s19+s2] =	stream.linear.scatter [tilespmem:s16], [sflag:$0x5], $0x4000, $0x38;
	[tilespmem:$0x16B80] =	vst v63  }
0x2c: {  	_ =	swait.ge [sflag:s24], $0x4000  }
0x2d: {  	s21 =	sadd.s32 $0x0, s11;
	[sflag:s24] =	ssyncset.done $0x0  }
0x2e: {  	s19 =	sadd.s32 $0x800, s21;
	[sflag:s24] =	ssyncadd.s32 $0xFFFFC000  }
0x2f: {  	[hbm4b:s19+s2] =	stream.linear.scatter [tilespmem:s18], [sflag:$0x6], $0x4000, $0x38;
	[tilespmem:$0x16B80] =	vst v63  }
0x30: {  	_ =	swait.ge [sflag:s25], $0x4000  }
0x31: {  	[sflag:s25] =	ssyncset.done $0x0  }
0x32: {  	s3 =	sadd.s32 $0x1000, s21;
	[sflag:s25] =	ssyncadd.s32 $0xFFFFC000  }
0x33: {  	[hbm4b:s3+s2] =	stream.linear.scatter [tilespmem:s20], [sflag:$0x7], $0x4000, $0x38;
	[tilespmem:$0x16B80] =	vst v63  }
0x34: {  	_ =	swait.ge [sflag:s26], $0x4000  }
0x35: {  	[sflag:s26] =	ssyncset.done $0x0  }
0x36: {  	s17 =	sadd.s32 $0x1800, s21;
	[sflag:s26] =	ssyncadd.s32 $0xFFFFC000  }
0x37: {  	[hbm4b:s17+s2] =	stream.linear.scatter [tilespmem:s22], [sflag:$0x8], $0x4000, $0x38;
	[tilespmem:$0x16B80] =	vst v63  }
0x38: {  	_ =	swait.ge [sflag:s28], $0x4000  }
0x39: {  	[sflag:s28] =	ssyncset.done $0x0  }
0x3a: {  	s4 =	simm.s32 $0x980;
	[sflag:s28] =	ssyncadd.s32 $0xFFFFC000  }
0x3b: {  	[tilespmem:s16], [sflag:$0x1] =	stream.indirect.gather [spmem:s1], $0x80, s4, s15, $0xb8;
	[tilespmem:$0x16B80] =	vst v63  }
0x3c: {  	_ =	swait.ge [sflag:s29], $0x4000  }
0x3d: {  	[sflag:s29] =	ssyncset.done $0x0  }
0x3e: {  	s19 =	simm.s32 $0xA00;
	[sflag:s29] =	ssyncadd.s32 $0xFFFFC000  }
0x3f: {  	[tilespmem:s18], [sflag:$0x2] =	stream.indirect.gather [spmem:s1], $0x80, s19, s15, $0xb8;
	[tilespmem:$0x16B80] =	vst v63  }
0x40: {  	_ =	swait.ge [sflag:s30], $0x4000  }
0x41: {  	[sflag:s30] =	ssyncset.done $0x0  }
0x42: {  	s21 =	simm.s32 $0xA80;
	[sflag:s30] =	ssyncadd.s32 $0xFFFFC000  }
0x43: {  	[tilespmem:s20], [sflag:$0x3] =	stream.indirect.gather [spmem:s1], $0x80, s21, s15, $0xb8;
	[tilespmem:$0x16B80] =	vst v63  }
0x44: {  	_ =	swait.ge [sflag:s31], $0x4000  }
0x45: {  	s17 =	simm.s32 $0xB00;
	[sflag:s31] =	ssyncset.done $0x0  }
0x46: {  	s19 =	simm.s32 $0x2000;
	s21 =	simm.s32 $0xD00;
	[sflag:s31] =	ssyncadd.s32 $0xFFFFC000  }
.LBB2_2:
0x47: {  	[tilespmem:s22], [sflag:$0x4] =	stream.indirect.gather [spmem:s1], $0x80, s17, s15, $0xb8;
	[tilespmem:$0x16B80] =	vst v63  }
0x48: {  	s3 =	smov.u32 s19;
	s17 =	smov.u32 s21  }
0x49: {  	p1 =	sne.s32 s19, $0x60000;
	s19 =	sadd.s32 $0x2000, s19;
	_ =	swait.ge [sflag:s23], $0x4000  }
0x4a: {  	[sflag:s23] =	ssyncset.done $0x0  }
0x4b: {  	s4 =	sadd.s32 s3, s10;
	[sflag:s23] =	ssyncadd.s32 $0xFFFFC000  }
0x4c: {  	[hbm4b:s4+s2] =	stream.linear.scatter [tilespmem:s16], [sflag:$0x5], $0x4000, $0x38;
	[tilespmem:$0x16B80] =	vst v63  }
0x4d: {  	_ =	swait.ge [sflag:s24], $0x4000  }
0x4e: {  	s3 =	sadd.s32 s3, s11;
	[sflag:s24] =	ssyncset.done $0x0  }
0x4f: {  	s4 =	sadd.s32 $0x800, s3;
	[sflag:s24] =	ssyncadd.s32 $0xFFFFC000  }
0x50: {  	[hbm4b:s4+s2] =	stream.linear.scatter [tilespmem:s18], [sflag:$0x6], $0x4000, $0x38;
	[tilespmem:$0x16B80] =	vst v63  }
0x51: {  	_ =	swait.ge [sflag:s25], $0x4000  }
0x52: {  	[sflag:s25] =	ssyncset.done $0x0  }
0x53: {  	s4 =	sadd.s32 $0x1000, s3;
	[sflag:s25] =	ssyncadd.s32 $0xFFFFC000  }
0x54: {  	[hbm4b:s4+s2] =	stream.linear.scatter [tilespmem:s20], [sflag:$0x7], $0x4000, $0x38;
	[tilespmem:$0x16B80] =	vst v63  }
0x55: {  	_ =	swait.ge [sflag:s26], $0x4000  }
0x56: {  	[sflag:s26] =	ssyncset.done $0x0  }
0x57: {  	s3 =	sadd.s32 $0x1800, s3;
	[sflag:s26] =	ssyncadd.s32 $0xFFFFC000  }
0x58: {  	[hbm4b:s3+s2] =	stream.linear.scatter [tilespmem:s22], [sflag:$0x8], $0x4000, $0x38;
	[tilespmem:$0x16B80] =	vst v63  }
0x59: {  	_ =	swait.ge [sflag:s28], $0x4000  }
0x5a: {  	[sflag:s28] =	ssyncset.done $0x0  }
0x5b: {  	s3 =	sadd.s32 $0xFFFFFE80, s21;
	[sflag:s28] =	ssyncadd.s32 $0xFFFFC000  }
0x5c: {  	[tilespmem:s16], [sflag:$0x1] =	stream.indirect.gather [spmem:s1], $0x80, s3, s15, $0xb8;
	[tilespmem:$0x16B80] =	vst v63  }
0x5d: {  	_ =	swait.ge [sflag:s29], $0x4000  }
0x5e: {  	[sflag:s29] =	ssyncset.done $0x0  }
0x5f: {  	s3 =	sadd.s32 $0xFFFFFF00, s21;
	[sflag:s29] =	ssyncadd.s32 $0xFFFFC000  }
0x60: {  	[tilespmem:s18], [sflag:$0x2] =	stream.indirect.gather [spmem:s1], $0x80, s3, s15, $0xb8;
	[tilespmem:$0x16B80] =	vst v63  }
0x61: {  	_ =	swait.ge [sflag:s30], $0x4000  }
0x62: {  	[sflag:s30] =	ssyncset.done $0x0  }
.Ltmp0:
0x63: {  	s3 =	sadd.s32 $0xFFFFFF80, s21;
	[sflag:s30] =	ssyncadd.s32 $0xFFFFC000;
	(pc) =	sbr.rel @p1 .LBB2_2-.Ltmp0, $4  }
0x64: {  	[tilespmem:s20], [sflag:$0x3] =	stream.indirect.gather [spmem:s1], $0x80, s3, s15, $0xb8;
	[tilespmem:$0x16B80] =	vst v63  }
0x65: {  	_ =	swait.ge [sflag:s31], $0x4000  }
0x66: {  	[sflag:s31] =	ssyncset.done $0x0  }
0x67: {  	s21 =	sadd.s32 $0x200, s21;
	[sflag:s31] =	ssyncadd.s32 $0xFFFFC000  }
0x68: {  	[tilespmem:s22], [sflag:$0x4] =	stream.indirect.gather [spmem:s1], $0x80, s17, s15, $0xb8;
	[tilespmem:$0x16B80] =	vst v63  }
0x69: {  	_ =	swait.ge [sflag:s23], $0x4000  }
0x6a: {  	[sflag:s23] =	ssyncset.done $0x0  }
0x6b: {  	[sflag:s23] =	ssyncadd.s32 $0xFFFFC000  }
0x6c: {  	[hbm4b:s5+s2] =	stream.linear.scatter [tilespmem:s16], [sflag:$0x5], $0x4000, $0x38;
	[tilespmem:$0x16B80] =	vst v63  }
0x6d: {  	_ =	swait.ge [sflag:s24], $0x4000  }
0x6e: {  	[sflag:s24] =	ssyncset.done $0x0  }
0x6f: {  	[sflag:s24] =	ssyncadd.s32 $0xFFFFC000  }
0x70: {  	[hbm4b:s6+s2] =	stream.linear.scatter [tilespmem:s18], [sflag:$0x6], $0x4000, $0x38;
	[tilespmem:$0x16B80] =	vst v63  }
0x71: {  	_ =	swait.ge [sflag:s25], $0x4000  }
0x72: {  	[sflag:s25] =	ssyncset.done $0x0  }
0x73: {  	[sflag:s25] =	ssyncadd.s32 $0xFFFFC000  }
0x74: {  	[hbm4b:s7+s2] =	stream.linear.scatter [tilespmem:s20], [sflag:$0x7], $0x4000, $0x38;
	[tilespmem:$0x16B80] =	vst v63  }
0x75: {  	_ =	swait.ge [sflag:s26], $0x4000  }
0x76: {  	[sflag:s26] =	ssyncset.done $0x0  }
0x77: {  	[sflag:s26] =	ssyncadd.s32 $0xFFFFC000  }
0x78: {  	[hbm4b:s8+s2] =	stream.linear.scatter [tilespmem:s22], [sflag:$0x8], $0x4000, $0x38;
	[tilespmem:$0x16B80] =	vst v63  }
0x79: {  	_ =	swait.ge [sflag:s28], $0x4000  }
0x7a: {  	[sflag:s28] =	ssyncset.done $0x0  }
0x7b: {  	[sflag:s28] =	ssyncadd.s32 $0xFFFFC000  }
0x7c: {  	_ =	swait.ge [sflag:s29], $0x4000  }
0x7d: {  	[sflag:s29] =	ssyncset.done $0x0  }
0x7e: {  	s0 =	sadd.s32 $0x1, s0;
	[sflag:s29] =	ssyncadd.s32 $0xFFFFC000  }
0x7f: {  	p1 =	sne.s32 s0, s9;
	_ =	swait.ge [sflag:s30], $0x4000  }
.Ltmp1:
0x80: {  	[sflag:s30] =	ssyncset.done $0x0;
	(pc) =	sbr.rel @p1 .LBB2_1-.Ltmp1, $4  }
0x81: {  	[sflag:s30] =	ssyncadd.s32 $0xFFFFC000  }
0x82: {  	_ =	swait.ge [sflag:s31], $0x4000  }
0x83: {  	[sflag:s31] =	ssyncset.done $0x0  }
0x84: {  	[sflag:s31] =	ssyncadd.s32 $0xFFFFC000  }
0x85: {  	_ =	sfence.sel $0x180000  }
0x86: {  	[bflag:$0x0] =	sbarrier.arrive $0xFFFF  }
0x87: {  	_ =	strace $0x90000047  }
0x88: {  	[bflag:$0x2] =	sbarrier.arrive $0xFFFF  }
0x89: {  	s0 =	rddreg [dreg:$0x3]  }
0x8a: {  	s0 =	sadd.s32 @!p0 $0x100000, s0  }
0x8b: {  	[sflag:s0] =	ssyncadd.tile.s32 @!p0 $0x1;
	_ =	shalt  }
.Lfunc_end2:
_tile_overlayer_lowered:
.L_overlay_start_2:
0x8c: {  	(tag) =	ssettag $0x2  }
0x8d: {  	s0 =	rddreg [dreg:$0x0];
	s2 =	stileid.u32  }
0x8e: {  	s1 =	rddreg [dreg:$0x1];
	p0 =	sne.s32 s2, $0x0  }
0x8f: {  	s3 =	rddreg [dreg:$0x2];
	[bflag:$0x3] =	sbarrier.arrive $0xFFFF;
	s2 =	simm.s32 @!p0 $0x1C09  }
0x90: {  	[timem:s3], [sflag:s2] =	dma.local @!p0 [hbm:s0], s1  }
0x91: {  	s0 =	simm.s32 @!p0 $0x9  }
0x92: {  	_ =	swait.ge @!p0 [sflag:s0], s1  }
0x93: {  	s1 =	ssub.s32 @!p0 $0x0, s1;
	[sflag:s0] =	ssyncset.done @!p0 $0x0  }
0x94: {  	[sflag:s0] =	ssyncadd.s32 @!p0 s1  }
0x95: {  	[bflag:$0x3] =	sbarrier.arrive $0xFFFF  }
0x96: {  	_ =	shalt  }

</sc_bundles>
